<compile_context>
chip_gen: v7x
topology: tpu7x:2x2x1
jax: 0.10.2.dev20260603
libtpu: 0.0.44.dev20260713+nightly
codegen_flags: <defaults>
</compile_context>

<pallas_src>
import functools

import jax
import jax.numpy as jnp
from jax import lax
from jax.experimental import pallas as pl
from jax.experimental.pallas import tpu as pltpu
from jax.experimental.pallas import tpu_sc as plsc

D_MODEL = 512
NC = 2
NS = 16
NW = NC * NS
CHUNK = 80


def _make_emb_kernel(b_total: int):
    b_per_w = b_total // NW
    n_chunks = b_per_w // CHUNK
    n_pairs = n_chunks // 2
    mesh = plsc.VectorSubcoreMesh(core_axis_name="c", subcore_axis_name="s")

    @functools.partial(
        pl.kernel,
        mesh=mesh,
        out_type=jax.ShapeDtypeStruct((b_total, D_MODEL), jnp.float32),
        scratch_types=[
            pltpu.VMEM((n_chunks, CHUNK), jnp.int32),
            pltpu.VMEM((CHUNK, D_MODEL), jnp.float32),
            pltpu.VMEM((CHUNK, D_MODEL), jnp.float32),
            pltpu.SemaphoreType.DMA,
            pltpu.SemaphoreType.DMA,
            pltpu.SemaphoreType.DMA,
            pltpu.SemaphoreType.DMA,
        ],
    )
    def emb(idx_hbm, table_hbm, out_hbm, idx_v, buf0, buf1, g0, g1, s0, s1):
        wid = lax.axis_index("s") * NC + lax.axis_index("c")
        pltpu.sync_copy(idx_hbm.at[wid], idx_v)
        base = wid * b_per_w

        def gather(j, buf, sem):
            pltpu.async_copy(table_hbm.at[idx_v.at[j]], buf, sem)

        def wait_gather(j, buf, sem):
            pltpu.make_async_copy(table_hbm.at[idx_v.at[j]], buf, sem).wait()

        def scatter(j, buf, sem):
            pltpu.async_copy(buf, out_hbm.at[pl.ds(base + j * CHUNK, CHUNK)], sem)

        def wait_scatter(j, buf, sem):
            pltpu.make_async_copy(
                buf, out_hbm.at[pl.ds(base + j * CHUNK, CHUNK)], sem
            ).wait()

        gather(0, buf0, g0)

        def pair_body(t, carry):
            j0 = 2 * t
            j1 = j0 + 1

            @pl.when(t > 0)
            def _():
                wait_scatter(j0 - 1, buf1, s1)

            gather(j1, buf1, g1)
            wait_gather(j0, buf0, g0)
            scatter(j0, buf0, s0)

            @pl.when(t < n_pairs - 1)
            def _():
                wait_scatter(j0, buf0, s0)
                gather(j0 + 2, buf0, g0)

            wait_gather(j1, buf1, g1)
            scatter(j1, buf1, s1)
            return carry

        lax.fori_loop(0, n_pairs, pair_body, 0)
        wait_scatter(n_chunks - 2, buf0, s0)
        wait_scatter(n_chunks - 1, buf1, s1)

    return emb


def kernel(x, embedding_table):
    b, s = x.shape
    b_total = b * s
    idx = x.T.reshape(-1).astype(jnp.int32).reshape(NW, b_total // (NW * CHUNK), CHUNK)
    out = _make_emb_kernel(b_total)(idx, embedding_table)
    return out.reshape(s, b, D_MODEL).transpose(1, 0, 2)

# --- scband reference (transcript-rebuilt; emitter-appended) ---
"""Pipeline reference for scband-source-embedding-22874995818658 (READ-ONLY COPY).

The authoritative reference and input builder live on the scoring server;
editing this copy changes nothing except your own understanding.
"""

import jax, jax.numpy as jnp
import numpy as np

SRC_VOCAB_SIZE = 100000
D_MODEL = 512

def setup_inputs(seed: int = 0) -> dict:
    key = jax.random.key(seed)
    k_idx, k_tab = jax.random.split(key)
    x = jax.random.randint(k_idx, (4096, 50), 0, SRC_VOCAB_SIZE, dtype=jnp.int64)
    # nn.Embedding default init: N(0, 1)
    embedding_table = jax.random.normal(k_tab, (SRC_VOCAB_SIZE, D_MODEL), dtype=jnp.float32)
    return {"x": x, "embedding_table": embedding_table}

def reference(x, embedding_table):
    # SourceEmbedding.forward: simple embedding lookup
    return jnp.take(embedding_table, x, axis=0)

if __name__ == "__main__":
    import jax
    _d = setup_inputs()
    print(jax.jit(kernel)(*tuple(_d.values())))

</pallas_src>

<mosaic_0001>
#map = affine_map<(d0, d1) -> (0, 0, 0)>
#map1 = affine_map<(d0, d1) -> (0, 0)>
module attributes {stable_mosaic.version = 14 : i64} {
  func.func @emb(%arg0: i32, %arg1: i32, %arg2: memref<32x80x80xi32, #tpu.memory_space<hbm>>, %arg3: memref<100000x512xf32, #tpu.memory_space<hbm>>, %arg4: memref<204800x512xf32, #tpu.memory_space<hbm>>, %arg5: memref<80x80xi32, #tpu.memory_space<vmem>>, %arg6: memref<80x512xf32, #tpu.memory_space<vmem>>, %arg7: memref<80x512xf32, #tpu.memory_space<vmem>>, %arg8: memref<!tpu.dma_semaphore, #tpu.memory_space<semaphore_mem>>, %arg9: memref<!tpu.dma_semaphore, #tpu.memory_space<semaphore_mem>>, %arg10: memref<!tpu.dma_semaphore, #tpu.memory_space<semaphore_mem>>, %arg11: memref<!tpu.dma_semaphore, #tpu.memory_space<semaphore_mem>>) attributes {dimension_semantics = [#tpu.dimension_semantics<core_parallel>, #tpu.dimension_semantics<subcore_parallel>], iteration_bounds = array<i64: 2, 16>, scalar_prefetch = 0 : i64, scratch_operands = 7 : i64, tpu.core_type = #tpu.core_type<sc_vector_subcore>, window_params = [{transform_indices = #map}, {transform_indices = #map1}, {transform_indices = #map1}]} {
    %mul3A = arith.constant 2 : i32
    %mul3A_0 = arith.muli %arg1, %mul3A : i32
    %add3A = arith.addi %mul3A_0, %arg0 : i32
    "tpu.region"() ({
      %run_scoped3A = tpu.sem_alloc : memref<!tpu.dma_semaphore, #tpu.memory_space<semaphore_mem>>
      %dma_start3A_25 = arith.constant 0 : i32
      %dma_start3A_26 = arith.constant 0 : i32
      %dma_start3A_27 = tpu.memref_slice %arg2[%add3A, %dma_start3A_25, %dma_start3A_26] : memref<32x80x80xi32, #tpu.memory_space<hbm>> -> memref<1x80x80xi32, #tpu.memory_space<hbm>>
      %dma_start3A_28 = tpu.memref_squeeze %dma_start3A_27 : memref<1x80x80xi32, #tpu.memory_space<hbm>> -> memref<80x80xi32, #tpu.memory_space<hbm>>
      %dma_start3A_29 = arith.constant 0 : i32
      %dma_start3A_30 = arith.constant 0 : i32
      %dma_start3A_31 = tpu.memref_slice %arg2[%add3A, %dma_start3A_29, %dma_start3A_30] : memref<32x80x80xi32, #tpu.memory_space<hbm>> -> memref<1x80x80xi32, #tpu.memory_space<hbm>>
      %dma_start3A_32 = tpu.memref_squeeze %dma_start3A_31 : memref<1x80x80xi32, #tpu.memory_space<hbm>> -> memref<80x80xi32, #tpu.memory_space<hbm>>
      tpu.enqueue_dma source(%dma_start3A_32 : memref<80x80xi32, #tpu.memory_space<hbm>>) target(%arg5 : memref<80x80xi32, #tpu.memory_space<vmem>>) target_semaphore(%run_scoped3A : memref<!tpu.dma_semaphore, #tpu.memory_space<semaphore_mem>>)
      %dma_wait3A_33 = arith.constant 0 : i32
      %dma_wait3A_34 = arith.constant 0 : i32
      %dma_wait3A_35 = tpu.memref_slice %arg2[%add3A, %dma_wait3A_33, %dma_wait3A_34] : memref<32x80x80xi32, #tpu.memory_space<hbm>> -> memref<1x80x80xi32, #tpu.memory_space<hbm>>
      %dma_wait3A_36 = tpu.memref_squeeze %dma_wait3A_35 : memref<1x80x80xi32, #tpu.memory_space<hbm>> -> memref<80x80xi32, #tpu.memory_space<hbm>>
      %dma_wait3A_37 = arith.constant 0 : i32
      %dma_wait3A_38 = arith.constant 0 : i32
      %dma_wait3A_39 = tpu.memref_slice %arg2[%add3A, %dma_wait3A_37, %dma_wait3A_38] : memref<32x80x80xi32, #tpu.memory_space<hbm>> -> memref<1x80x80xi32, #tpu.memory_space<hbm>>
      %dma_wait3A_40 = tpu.memref_squeeze %dma_wait3A_39 : memref<1x80x80xi32, #tpu.memory_space<hbm>> -> memref<80x80xi32, #tpu.memory_space<hbm>>
      tpu.wait_dma2 semaphore(%run_scoped3A : memref<!tpu.dma_semaphore, #tpu.memory_space<semaphore_mem>>) src(%dma_wait3A_40 : memref<80x80xi32, #tpu.memory_space<hbm>>) dst(%arg5 : memref<80x80xi32, #tpu.memory_space<vmem>>)
      tpu.yield
    }) : () -> ()
    %mul3A_1 = arith.constant 6400 : i32
    %mul3A_2 = arith.muli %add3A, %mul3A_1 : i32
    %dma_start3A = arith.constant 0 : i32
    %dma_start3A_3 = arith.constant 0 : i32
    %dma_start3A_4 = tpu.memref_slice %arg5[%dma_start3A, %dma_start3A_3] : memref<80x80xi32, #tpu.memory_space<vmem>> -> memref<1x80xi32, #tpu.memory_space<vmem>>
    %dma_start3A_5 = tpu.memref_squeeze %dma_start3A_4 : memref<1x80xi32, #tpu.memory_space<vmem>> -> memref<80xi32, #tpu.memory_space<vmem>>
    %dma_start3A_6 = arith.constant 0 : i32
    %dma_start3A_7 = arith.constant 0 : i32
    %dma_start3A_8 = tpu.memref_slice %arg3[%dma_start3A_6, %dma_start3A_7] : memref<100000x512xf32, #tpu.memory_space<hbm>> -> memref<100000x512xf32, #tpu.memory_space<hbm>>
    tpu.enqueue_indirect_dma source(%dma_start3A_8 : memref<100000x512xf32, #tpu.memory_space<hbm>>) target(%arg6 : memref<80x512xf32, #tpu.memory_space<vmem>>) offsets(%dma_start3A_5 : memref<80xi32, #tpu.memory_space<vmem>>) semaphore(%arg8 : memref<!tpu.dma_semaphore, #tpu.memory_space<semaphore_mem>>)
    %scan3A = arith.constant 0 : i32
    %scan3A_9 = arith.constant 0 : i32
    %scan3A_10 = arith.constant 40 : i32
    %scan3A_11 = arith.addi %scan3A_9, %scan3A_10 : i32
    %scan3A_12 = arith.constant 1 : i32
    scf.for %scan3A_25 = %scan3A_9 to %scan3A_11 step %scan3A_12  : i32 {
      %mul3A_26 = arith.constant 2 : i32
      %mul3A_27 = arith.muli %mul3A_26, %scan3A_25 : i32
      %add3A_28 = arith.constant 1 : i32
      %add3A_29 = arith.addi %mul3A_27, %add3A_28 : i32
      %gt3A = arith.constant 0 : i32
      %gt3A_30 = arith.cmpi sgt, %scan3A_25, %gt3A : i32
      %convert_element_type3A = arith.extui %gt3A_30 : i1 to i32
      %cond3A = arith.constant 0 : i32
      %cond3A_31 = arith.cmpi ne, %convert_element_type3A, %cond3A : i32
      scf.if %cond3A_31 {
        %sub3A = arith.constant 1 : i32
        %sub3A_68 = arith.subi %mul3A_27, %sub3A : i32
        %mul3A_69 = arith.constant 80 : i32
        %mul3A_70 = arith.muli %sub3A_68, %mul3A_69 : i32
        %add3A_71 = arith.addi %mul3A_2, %mul3A_70 : i32
        %dma_wait3A_72 = arith.constant 0 : i32
        %dma_wait3A_73 = tpu.memref_slice %arg4[%add3A_71, %dma_wait3A_72] : memref<204800x512xf32, #tpu.memory_space<hbm>> -> memref<80x512xf32, #tpu.memory_space<hbm>>
        %dma_wait3A_74 = arith.constant 0 : i32
        %dma_wait3A_75 = tpu.memref_slice %arg4[%add3A_71, %dma_wait3A_74] : memref<204800x512xf32, #tpu.memory_space<hbm>> -> memref<80x512xf32, #tpu.memory_space<hbm>>
        tpu.wait_dma2 semaphore(%arg11 : memref<!tpu.dma_semaphore, #tpu.memory_space<semaphore_mem>>) src(%arg7 : memref<80x512xf32, #tpu.memory_space<vmem>>) dst(%dma_wait3A_75 : memref<80x512xf32, #tpu.memory_space<hbm>>)
      } else {
      }
      %dma_start3A_32 = arith.constant 0 : i32
      %dma_start3A_33 = tpu.memref_slice %arg5[%add3A_29, %dma_start3A_32] : memref<80x80xi32, #tpu.memory_space<vmem>> -> memref<1x80xi32, #tpu.memory_space<vmem>>
      %dma_start3A_34 = tpu.memref_squeeze %dma_start3A_33 : memref<1x80xi32, #tpu.memory_space<vmem>> -> memref<80xi32, #tpu.memory_space<vmem>>
      %dma_start3A_35 = arith.constant 0 : i32
      %dma_start3A_36 = arith.constant 0 : i32
      %dma_start3A_37 = tpu.memref_slice %arg3[%dma_start3A_35, %dma_start3A_36] : memref<100000x512xf32, #tpu.memory_space<hbm>> -> memref<100000x512xf32, #tpu.memory_space<hbm>>
      tpu.enqueue_indirect_dma source(%dma_start3A_37 : memref<100000x512xf32, #tpu.memory_space<hbm>>) target(%arg7 : memref<80x512xf32, #tpu.memory_space<vmem>>) offsets(%dma_start3A_34 : memref<80xi32, #tpu.memory_space<vmem>>) semaphore(%arg9 : memref<!tpu.dma_semaphore, #tpu.memory_space<semaphore_mem>>)
      %dma_wait3A_38 = arith.constant 0 : i32
      %dma_wait3A_39 = tpu.memref_slice %arg5[%mul3A_27, %dma_wait3A_38] : memref<80x80xi32, #tpu.memory_space<vmem>> -> memref<1x80xi32, #tpu.memory_space<vmem>>
      %dma_wait3A_40 = tpu.memref_squeeze %dma_wait3A_39 : memref<1x80xi32, #tpu.memory_space<vmem>> -> memref<80xi32, #tpu.memory_space<vmem>>
      %dma_wait3A_41 = arith.constant 0 : i32
      %dma_wait3A_42 = arith.constant 0 : i32
      %dma_wait3A_43 = tpu.memref_slice %arg3[%dma_wait3A_41, %dma_wait3A_42] : memref<100000x512xf32, #tpu.memory_space<hbm>> -> memref<100000x512xf32, #tpu.memory_space<hbm>>
      tpu.wait_indirect_dma semaphore(%arg8 : memref<!tpu.dma_semaphore, #tpu.memory_space<semaphore_mem>>) src(%dma_wait3A_43 : memref<100000x512xf32, #tpu.memory_space<hbm>>) dst(%arg6 : memref<80x512xf32, #tpu.memory_space<vmem>>)
      %mul3A_44 = arith.constant 80 : i32
      %mul3A_45 = arith.muli %mul3A_27, %mul3A_44 : i32
      %add3A_46 = arith.addi %mul3A_2, %mul3A_45 : i32
      %dma_start3A_47 = arith.constant 0 : i32
      %dma_start3A_48 = tpu.memref_slice %arg4[%add3A_46, %dma_start3A_47] : memref<204800x512xf32, #tpu.memory_space<hbm>> -> memref<80x512xf32, #tpu.memory_space<hbm>>
      %dma_start3A_49 = arith.constant 0 : i32
      %dma_start3A_50 = tpu.memref_slice %arg4[%add3A_46, %dma_start3A_49] : memref<204800x512xf32, #tpu.memory_space<hbm>> -> memref<80x512xf32, #tpu.memory_space<hbm>>
      tpu.enqueue_dma source(%arg6 : memref<80x512xf32, #tpu.memory_space<vmem>>) target(%dma_start3A_50 : memref<80x512xf32, #tpu.memory_space<hbm>>) target_semaphore(%arg10 : memref<!tpu.dma_semaphore, #tpu.memory_space<semaphore_mem>>)
      %lt3A = arith.constant 39 : i32
      %lt3A_51 = arith.cmpi slt, %scan3A_25, %lt3A : i32
      %convert_element_type3A_52 = arith.extui %lt3A_51 : i1 to i32
      %cond3A_53 = arith.constant 0 : i32
      %cond3A_54 = arith.cmpi ne, %convert_element_type3A_52, %cond3A_53 : i32
      scf.if %cond3A_54 {
        %mul3A_68 = arith.constant 80 : i32
        %mul3A_69 = arith.muli %mul3A_27, %mul3A_68 : i32
        %add3A_70 = arith.addi %mul3A_2, %mul3A_69 : i32
        %dma_wait3A_71 = arith.constant 0 : i32
        %dma_wait3A_72 = tpu.memref_slice %arg4[%add3A_70, %dma_wait3A_71] : memref<204800x512xf32, #tpu.memory_space<hbm>> -> memref<80x512xf32, #tpu.memory_space<hbm>>
        %dma_wait3A_73 = arith.constant 0 : i32
        %dma_wait3A_74 = tpu.memref_slice %arg4[%add3A_70, %dma_wait3A_73] : memref<204800x512xf32, #tpu.memory_space<hbm>> -> memref<80x512xf32, #tpu.memory_space<hbm>>
        tpu.wait_dma2 semaphore(%arg10 : memref<!tpu.dma_semaphore, #tpu.memory_space<semaphore_mem>>) src(%arg6 : memref<80x512xf32, #tpu.memory_space<vmem>>) dst(%dma_wait3A_74 : memref<80x512xf32, #tpu.memory_space<hbm>>)
        %add3A_75 = arith.constant 2 : i32
        %add3A_76 = arith.addi %mul3A_27, %add3A_75 : i32
        %dma_start3A_77 = arith.constant 0 : i32
        %dma_start3A_78 = tpu.memref_slice %arg5[%add3A_76, %dma_start3A_77] : memref<80x80xi32, #tpu.memory_space<vmem>> -> memref<1x80xi32, #tpu.memory_space<vmem>>
        %dma_start3A_79 = tpu.memref_squeeze %dma_start3A_78 : memref<1x80xi32, #tpu.memory_space<vmem>> -> memref<80xi32, #tpu.memory_space<vmem>>
        %dma_start3A_80 = arith.constant 0 : i32
        %dma_start3A_81 = arith.constant 0 : i32
        %dma_start3A_82 = tpu.memref_slice %arg3[%dma_start3A_80, %dma_start3A_81] : memref<100000x512xf32, #tpu.memory_space<hbm>> -> memref<100000x512xf32, #tpu.memory_space<hbm>>
        tpu.enqueue_indirect_dma source(%dma_start3A_82 : memref<100000x512xf32, #tpu.memory_space<hbm>>) target(%arg6 : memref<80x512xf32, #tpu.memory_space<vmem>>) offsets(%dma_start3A_79 : memref<80xi32, #tpu.memory_space<vmem>>) semaphore(%arg8 : memref<!tpu.dma_semaphore, #tpu.memory_space<semaphore_mem>>)
      } else {
      }
      %dma_wait3A_55 = arith.constant 0 : i32
      %dma_wait3A_56 = tpu.memref_slice %arg5[%add3A_29, %dma_wait3A_55] : memref<80x80xi32, #tpu.memory_space<vmem>> -> memref<1x80xi32, #tpu.memory_space<vmem>>
      %dma_wait3A_57 = tpu.memref_squeeze %dma_wait3A_56 : memref<1x80xi32, #tpu.memory_space<vmem>> -> memref<80xi32, #tpu.memory_space<vmem>>
      %dma_wait3A_58 = arith.constant 0 : i32
      %dma_wait3A_59 = arith.constant 0 : i32
      %dma_wait3A_60 = tpu.memref_slice %arg3[%dma_wait3A_58, %dma_wait3A_59] : memref<100000x512xf32, #tpu.memory_space<hbm>> -> memref<100000x512xf32, #tpu.memory_space<hbm>>
      tpu.wait_indirect_dma semaphore(%arg9 : memref<!tpu.dma_semaphore, #tpu.memory_space<semaphore_mem>>) src(%dma_wait3A_60 : memref<100000x512xf32, #tpu.memory_space<hbm>>) dst(%arg7 : memref<80x512xf32, #tpu.memory_space<vmem>>)
      %mul3A_61 = arith.constant 80 : i32
      %mul3A_62 = arith.muli %add3A_29, %mul3A_61 : i32
      %add3A_63 = arith.addi %mul3A_2, %mul3A_62 : i32
      %dma_start3A_64 = arith.constant 0 : i32
      %dma_start3A_65 = tpu.memref_slice %arg4[%add3A_63, %dma_start3A_64] : memref<204800x512xf32, #tpu.memory_space<hbm>> -> memref<80x512xf32, #tpu.memory_space<hbm>>
      %dma_start3A_66 = arith.constant 0 : i32
      %dma_start3A_67 = tpu.memref_slice %arg4[%add3A_63, %dma_start3A_66] : memref<204800x512xf32, #tpu.memory_space<hbm>> -> memref<80x512xf32, #tpu.memory_space<hbm>>
      tpu.enqueue_dma source(%arg7 : memref<80x512xf32, #tpu.memory_space<vmem>>) target(%dma_start3A_67 : memref<80x512xf32, #tpu.memory_space<hbm>>) target_semaphore(%arg11 : memref<!tpu.dma_semaphore, #tpu.memory_space<semaphore_mem>>)
    }
    %scan3A_13 = arith.constant 40 : i32
    %add3A_14 = arith.constant 6240 : i32
    %add3A_15 = arith.addi %mul3A_2, %add3A_14 : i32
    %dma_wait3A = arith.constant 0 : i32
    %dma_wait3A_16 = tpu.memref_slice %arg4[%add3A_15, %dma_wait3A] : memref<204800x512xf32, #tpu.memory_space<hbm>> -> memref<80x512xf32, #tpu.memory_space<hbm>>
    %dma_wait3A_17 = arith.constant 0 : i32
    %dma_wait3A_18 = tpu.memref_slice %arg4[%add3A_15, %dma_wait3A_17] : memref<204800x512xf32, #tpu.memory_space<hbm>> -> memref<80x512xf32, #tpu.memory_space<hbm>>
    tpu.wait_dma2 semaphore(%arg10 : memref<!tpu.dma_semaphore, #tpu.memory_space<semaphore_mem>>) src(%arg6 : memref<80x512xf32, #tpu.memory_space<vmem>>) dst(%dma_wait3A_18 : memref<80x512xf32, #tpu.memory_space<hbm>>)
    %add3A_19 = arith.constant 6320 : i32
    %add3A_20 = arith.addi %mul3A_2, %add3A_19 : i32
    %dma_wait3A_21 = arith.constant 0 : i32
    %dma_wait3A_22 = tpu.memref_slice %arg4[%add3A_20, %dma_wait3A_21] : memref<204800x512xf32, #tpu.memory_space<hbm>> -> memref<80x512xf32, #tpu.memory_space<hbm>>
    %dma_wait3A_23 = arith.constant 0 : i32
    %dma_wait3A_24 = tpu.memref_slice %arg4[%add3A_20, %dma_wait3A_23] : memref<204800x512xf32, #tpu.memory_space<hbm>> -> memref<80x512xf32, #tpu.memory_space<hbm>>
    tpu.wait_dma2 semaphore(%arg11 : memref<!tpu.dma_semaphore, #tpu.memory_space<semaphore_mem>>) src(%arg7 : memref<80x512xf32, #tpu.memory_space<vmem>>) dst(%dma_wait3A_24 : memref<80x512xf32, #tpu.memory_space<hbm>>)
    return
  }
}

</mosaic_0001>

<sc_bundles>
// kernel: kernel.3.cloned.1.call-start
scs
__scs_entry_jumppad:
0x0: {  	(pc) =	sbr.rel $0x88, $3  }
0x1: {  	(tag) =	ssettag $0x0;
	lr =	simm.s32 $0x1  }
0x2: {  	[smem:$0x3F9F] =	sst lr;
	_ =	strace $0xD0000000  }
0x3: {  	_ = 	snop  }
0x4: {  	_ = 	snop  }
0x5: {  	_ = 	snop  }
0x6: {  	_ = 	snop  }
0x7: {  	_ = 	snop  }
__scs_overlays_trampoline_lowered:
0x8: {  	[smem:$0x3FAE] =	sst s0  }
0x9: {  	[smem:$0x3FAF] =	sst s1  }
0xa: {  	[smem:$0x3FB0] =	sst s2  }
0xb: {  	[smem:$0x3FB1] =	sst s3  }
0xc: {  	[smem:$0x3FB2] =	sst s4  }
0xd: {  	[smem:$0x3FB3] =	sst s5  }
0xe: {  	[smem:$0x3FB4] =	sst s6  }
0xf: {  	[smem:$0x3FB5] =	sst s7  }
0x10: {  	[smem:$0x3FB6] =	sst s8  }
0x11: {  	[smem:$0x3FB7] =	sst s9;
	s0 =	simm.s32 @!p0 $0x0  }
0x12: {  	s1 =	sld [smem:$0x3F9D];
	s0 =	simm.s32 @p0 $0x1  }
0x13: {  	[smem:$0x3FB8] =	sst s0;
	s0 =	simm.s32 @!p1 $0x0  }
0x14: {  	s2 =	sld [smem:$0x3F9C];
	s0 =	simm.s32 @p1 $0x1  }
0x15: {  	[smem:$0x3FB9] =	sst s0;
	s0 =	simm.s32 @!p2 $0x0  }
0x16: {  	s3 =	sld [smem:$0x3FDB];
	s0 =	simm.s32 @p2 $0x1  }
0x17: {  	s4 =	simm.s32 $0x1BF5;
	[smem:$0x3FBB] =	sst s0  }
0x18: {  	s0 =	sld [smem:$0x3F9E];
	_ =	swait.ge [sflag:s4], $0x0  }
0x19: {  	s7 =	sld [smem:$0x3F9F]  }
0x1a: {  	s8 =	sadd.s32 $0xFFFFE003, lr  }
0x1b: {  	s9 =	sadd.s32 $0xFFFFFEF7, lr;
	s5 =	simm.s32 $0xFFFFFFFF;
	p2 =	slt.u32 s8, $0xFFFFF086  }
0x1c: {  	p1 =	slt.u32 s9, $0xF7A;
	s5 =	simm.s32 @!p2 $0x0  }
0x1d: {  	s5 =	simm.s32 @p1 $0x1;
	p0 =	seq.s32 s7, s2  }
0x1e: {  	s7 =	smul.u32 @!p0 $0xF7A, s2;
	p2 =	seq.s32 @!p0 s5, $0x0  }
0x1f: {  	s9 =	smul.u32 $0xF7A, s1;
	s8 =	simm.s32 @!p0 $0x1BF5;
	p2 =	por !p2, p0  }
0x20: {  	[sflag:s8] =	ssyncset.s32 @!p0 $0xFFFFF086;
	s6 =	sadd.s32 @!p0 s3, s7;
	s7 =	simm.s32 @!p0 $0x108  }
0x21: {  	s3 =	sadd.s32 s3, s9;
	s6 =	sadd.s32 @!p0 $0x88, s6;
	s7 =	simm.s32 @p2 $0x1082  }
0x22: {  	[simem:s7], [sflag:s8] =	dma.local @!p0 [hbm:s6], $0xF7A  }
0x23: {  	s9 =	sor.u32 $0xD0000000, s2;
	s6 =	simm.s32 $0x108;
	_ =	swait.ge @!p0 [sflag:s8], $0x0  }
0x24: {  	s3 =	sadd.s32 $0x88, s3;
	s6 =	simm.s32 @!p1 $0x1082;
	[sflag:s4] =	ssyncset.s32 $0xFFFFF086  }
0x25: {  	[simem:s6], [sflag:s4] =	dma.local [hbm:s3], $0xF7A  }
0x26: {  	[smem:$0x3F9F] =	sst s1;
	(tag) =	ssettag s2;
	_ =	strace s9  }
0x27: {  	s1 =	sld [smem:$0x3FAF]  }
0x28: {  	s2 =	sld [smem:$0x3FB0]  }
0x29: {  	s4 =	sld [smem:$0x3FB2]  }
0x2a: {  	p0 =	seq.s32 s5, $0x0;
	s5 =	sld [smem:$0x3FB3]  }
0x2b: {  	s6 =	sld [smem:$0x3FB4]  }
0x2c: {  	s7 =	sld [smem:$0x3FB5]  }
0x2d: {  	s3 =	simm.s32 $0x108;
	s8 =	sld [smem:$0x3FB6]  }
0x2e: {  	s3 =	simm.s32 @!p0 $0x1082;
	s9 =	sld [smem:$0x3FB7]  }
0x2f: {  	lr =	sadd.s32 s0, s3;
	s0 =	sld [smem:$0x3FAE]  }
0x30: {  	s3 =	sld [smem:$0x3FB1]  }
0x31: {  	[smem:$0x3FBA] =	sst s10  }
0x32: {  	s10 =	sld [smem:$0x3FB8];
	_ =	sdelay $0x3  }
0x33: {  	p0 =	seq.s32 s10, $0x1;
	s10 =	sld [smem:$0x3FBA];
	_ =	sdelay $0x3  }
0x34: {  	[smem:$0x3FBA] =	sst s10  }
0x35: {  	s10 =	sld [smem:$0x3FB9];
	_ =	sdelay $0x3  }
0x36: {  	p1 =	seq.s32 s10, $0x1;
	s10 =	sld [smem:$0x3FBA];
	_ =	sdelay $0x3  }
0x37: {  	[smem:$0x3FBA] =	sst s10  }
0x38: {  	s10 =	sld [smem:$0x3FBB]  }
0x39: {  	_ = 	snop;
	(pc) =	sbr.ind lr, $3  }
0x3a: {  	_ = 	snop  }
0x3b: {  	_ = 	snop  }
0x3c: {  	p2 =	seq.s32 s10, $0x1;
	s10 =	sld [smem:$0x3FBA]  }
0x3d: {  	_ =	shalt  }
0x3e: {  	_ =	shalt  }
0x3f: {  	_ =	shalt  }
0x40: {  	_ =	shalt  }
0x41: {  	_ =	shalt  }
0x42: {  	_ =	shalt  }
0x43: {  	_ =	shalt  }
0x44: {  	_ =	shalt  }
0x45: {  	_ =	shalt  }
0x46: {  	_ =	shalt  }
0x47: {  	_ =	shalt  }
0x48: {  	_ =	shalt  }
0x49: {  	_ =	shalt  }
0x4a: {  	_ =	shalt  }
0x4b: {  	_ =	shalt  }
0x4c: {  	_ =	shalt  }
0x4d: {  	_ =	shalt  }
0x4e: {  	_ =	shalt  }
0x4f: {  	_ =	shalt  }
0x50: {  	_ =	shalt  }
0x51: {  	_ =	shalt  }
0x52: {  	_ =	shalt  }
0x53: {  	_ =	shalt  }
0x54: {  	_ =	shalt  }
0x55: {  	_ =	shalt  }
0x56: {  	_ =	shalt  }
0x57: {  	_ =	shalt  }
0x58: {  	_ =	shalt  }
0x59: {  	_ =	shalt  }
0x5a: {  	_ =	shalt  }
0x5b: {  	_ =	shalt  }
0x5c: {  	_ =	shalt  }
0x5d: {  	_ =	shalt  }
0x5e: {  	_ =	shalt  }
0x5f: {  	_ =	shalt  }
0x60: {  	_ =	shalt  }
0x61: {  	_ =	shalt  }
0x62: {  	_ =	shalt  }
0x63: {  	_ =	shalt  }
0x64: {  	_ =	shalt  }
0x65: {  	_ =	shalt  }
0x66: {  	_ =	shalt  }
0x67: {  	_ =	shalt  }
0x68: {  	_ =	shalt  }
0x69: {  	_ =	shalt  }
0x6a: {  	_ =	shalt  }
0x6b: {  	_ =	shalt  }
0x6c: {  	_ =	shalt  }
0x6d: {  	_ =	shalt  }
0x6e: {  	_ =	shalt  }
0x6f: {  	_ =	shalt  }
0x70: {  	_ =	shalt  }
0x71: {  	_ =	shalt  }
0x72: {  	_ =	shalt  }
0x73: {  	_ =	shalt  }
0x74: {  	_ =	shalt  }
0x75: {  	_ =	shalt  }
0x76: {  	_ =	shalt  }
0x77: {  	_ =	shalt  }
0x78: {  	_ =	shalt  }
0x79: {  	_ =	shalt  }
0x7a: {  	_ =	shalt  }
0x7b: {  	_ =	shalt  }
0x7c: {  	_ =	shalt  }
0x7d: {  	_ =	shalt  }
0x7e: {  	_ =	shalt  }
0x7f: {  	_ =	shalt  }
0x80: {  	_ =	shalt  }
0x81: {  	_ =	shalt  }
0x82: {  	_ =	shalt  }
0x83: {  	_ =	shalt  }
0x84: {  	_ =	shalt  }
0x85: {  	_ =	shalt  }
0x86: {  	_ =	shalt  }
0x87: {  	_ =	shalt  }
.Lfunc_end0:
.L_simem_size_0:
called_computation_lowered:
.L_overlay_start_0:
0x88: {  	s2 =	sld [smem:$0x3FD9]  }
0x89: {  	s3 =	sld [smem:$0x3FFE];
	_ =	sdelay $0x1  }
0x8a: {  	s1 =	srdreg.scid  }
0x8b: {  	s0 =	sand.u32 $0x1, s1  }
0x8c: {  	s17 =	sshll.u32 s0, $0xA;
	s2 =	sadd.s32 s3, s2  }
0x8d: {  	s2 =	sadd.s32 s2, s17  }
0x8e: {  	[smem:$0x3FC6] =	sst s2  }
0x8f: {  	_ = 	snop  }
0x90: {  	s2 =	sld [smem:$0x3FC8]  }
0x91: {  	s18 =	sld [smem:$0x3FD0];
	(tm) =	ssettm $0x1  }
0x92: {  	s4 =	sld [smem:$0x3FFB];
	_ =	sdelay $0x3  }
0x93: {  	_ =	strace s4  }
0x94: {  	s4 =	sld [smem:$0x3FFC];
	_ =	sdelay $0x3  }
0x95: {  	_ =	strace s4  }
0x96: {  	s4 =	sld [smem:$0x3FFD];
	_ =	sdelay $0x3  }
0x97: {  	_ =	strace s4  }
0x98: {  	_ =	strace $0x8FFFFFFF  }
0x99: {  	s19 =	sld [smem:$0x3FDB];
	_ =	sdelay $0x1  }
0x9a: {  	s5 =	simm.s32 $_scs_section_size  }
0x9b: {  	s6 =	simm.s32 $_size__tile_overlayer_lowered;
	s7 =	simm.s32 $_tile_overlayer_lowered  }
0x9c: {  	s22 =	simm.s32 $0x1BFF;
	s21 =	sshll.u32 s7, $0x1;
	s4 =	sadd.s32 s5, s19  }
0x9d: {  	s8 =	simm.s32 $0x0;
	s20 =	sshll.u32 s6, $0x1;
	s6 =	sadd.s32 s21, s4  }
0x9e: {  	[timem:s8], [sflag:s22] =	dma.local [hbm:s6], s20  }
0x9f: {  	_ =	swait.ge [sflag:s22], s20  }
0xa0: {  	s5 =	ssub.s32 $0x0, s20;
	[sflag:s22] =	ssyncset.done $0x0  }
0xa1: {  	[sflag:s22] =	ssyncadd.s32 s5;
	_ =	sdelay $0x1  }
0xa2: {  	s23 =	simm.s32 $0x1B8B  }
0xa3: {  	_ =	swait.ge [sflag:s23], $0x1  }
0xa4: {  	[sflag:s23] =	ssyncset.done $0x0  }
0xa5: {  	s25 =	simm.s32 $0x1B8E;
	s24 =	sld [smem:$0x3FFE];
	[sflag:s23] =	ssyncadd.s32 $0xFFFFFFFF  }
0xa6: {  	s26 =	simm.s32 $execute0_lowered;
	[smem:$0x3FD2] =	sst s25  }
0xa7: {  	s6 =	sshll.u32 s26, $0x1;
	_ =	strace $0x80000046;
	[dreg:$0x1] =	wrdreg $0xFFFFFFFF  }
0xa8: {  	s28 =	simm.s32 $_size_execute0_lowered;
	s4 =	sadd.s32 s4, s6;
	[dreg:$0x0] =	wrdreg $0x0  }
0xa9: {  	s6 =	sshll.u32 s28, $0x1;
	[dreg:$0x2] =	wrdreg s4  }
0xaa: {  	[dreg:$0x3] =	wrdreg s6  }
0xab: {  	[dreg:$0x4] =	wrdreg $0xC0  }
0xac: {  	_ =	task [dreg:s8], $0x5FFFF  }
0xad: {  	[dreg:$0x1] =	wrdreg $0xFFFFFFFF  }
0xae: {  	[dreg:$0x0] =	wrdreg $0x60  }
0xaf: {  	[dreg:$0x2] =	wrdreg s24  }
0xb0: {  	[dreg:$0x3] =	wrdreg s2  }
0xb1: {  	[dreg:$0x4] =	wrdreg s18  }
0xb2: {  	[dreg:$0x5] =	wrdreg $0x9  }
0xb3: {  	_ =	task.clear_ibuf [dreg:s8], $0x6FFFF;
	_ =	strace $0x90000046  }
0xb4: {  	s29 =	simm.s32 $0x9;
	_ =	strace $0x80000048  }
0xb5: {  	_ =	swait.ge [sflag:s29], $0x1  }
0xb6: {  	[sflag:s29] =	ssyncadd.s32 $0xFFFFFFFF  }
0xb7: {  	_ =	strace $0x90000048  }
0xb8: {  	_ =	sfence  }
0xb9: {  	s30 =	sld [smem:$0x0];
	_ =	sdelay $0x2  }
0xba: {  	s31 =	sshll.u32 s1, $0xD;
	s1 =	sshrl.u32 s1, $0x2  }
0xbb: {  	s3 =	sand.u32 $0x4000, s31;
	s1 =	sadd.s32 s1, s30  }
0xbc: {  	s0 =	sor.u32 s3, s0;
	s1 =	sshll.u32 s1, $0x11  }
0xbd: {  	s0 =	sor.u32 s1, s0  }
0xbe: {  	s0 =	sadd.s32 $0x8F2B, s0  }
0xbf: {  	[sflag:s0] =	ssyncadd.remote.s32 $0x1  }
0xc0: {  	_ =	sfence.sel $0xFFFF  }
0xc1: {  	[dreg:$0x0] =	wrdreg $0xFFFFFFFF;
	(pc) =	sbr.abs _section_cstart, $3  }
0xc2: {  	[dreg:$0x1] =	wrdreg $0xFFFFFFFF  }
0xc3: {  	_ =	task.clear_ibuf [dreg:s8], $0x2FFFF;
	_ =	strace $0x9FFFFFFF  }
0xc4: {  	(tm) =	ssettm $0x7FFFFFFF  }
0xc5: {  	_ =	shalt  }
tec
execute0_lowered:
.L_overlay_start_1:
0x0: {  	(tag) =	ssettag $0x1  }
0x1: {  	s0 =	rddreg [dreg:$0x0]  }
0x2: {  	s2 =	rddreg [dreg:$0x1];
	s1 =	srdreg.scid  }
0x3: {  	s8 =	stileid.u32;
	s4 =	rddreg [dreg:$0x2];
	s3 =	simm.s32 $0x0  }
0x4: {  	s9 =	simm.s32 $0x2800;
	s30 =	simm.s32 $0xC800;
	s31 =	simm.s32 $0xD000  }
0x5: {  	s10 =	simm.s32 $0x10000;
	s11 =	simm.s32 $0x10800;
	s12 =	simm.s32 $0x11000  }
0x6: {  	s13 =	simm.s32 $0x11800;
	s14 =	simm.s32 $0x12000;
	s15 =	simm.s32 $0x12800  }
0x7: {  	s16 =	simm.s32 $0x13000;
	s17 =	simm.s32 $0x13800;
	s18 =	simm.s32 $0x14000  }
0x8: {  	s19 =	simm.s32 $0x14800;
	s20 =	simm.s32 $0x15000;
	s21 =	simm.s32 $0x15800  }
0x9: {  	s22 =	simm.s32 $0x16000;
	s23 =	simm.s32 $0x1;
	s24 =	simm.s32 $0x2  }
0xa: {  	s25 =	simm.s32 $0x3;
	s29 =	simm.s32 $0x0;
	s1 =	sand.u32 $0x1, s1  }
0xb: {  	s5 =	sshll.u32 s8, $0x1;
	[smem:$0x7FF] =	sst s3;
	s8 =	smul.u32 $0xC8000, s8  }
0xc: {  	s5 =	sor.u32 s1, s5;
	s6 =	ssub.s32 $0x2, s1;
	s1 =	smul.u32 $0x64000, s1  }
0xd: {  	_ =	strace $0x80000047;
	s5 =	smul.u32 $0x500, s5;
	s7 =	sshrl.u32 s6, $0x1  }
.Ltmp0:
0xe: {  	s26 =	sadd.s32 s8, s4;
	s4 =	simm.s32 $0xE800;
	(pc) =	sbr.rel .LBB2_1-.Ltmp0, $4  }
0xf: {  	s8 =	simm.s32 $0xF800;
	s6 =	ssub.s32 s6, s7;
	s7 =	sadd.s32 s1, s26  }
0x10: {  	v2 =	vlaneseq.u32;
	s1 =	simm.s32 $0xD800;
	s0 =	sadd.s32 s5, s0;
	s28 =	smax.u32 s6, $0x1  }
0x11: {  	vm0 =	vmmov $0xffff;
	v1 =	vshrl.u32 v2, $0x3;
	s5 =	sadd.s32 $0x100, s2;
	s0 =	sadd.s32 $0x400, s0;
	[dreg:$0x5] =	wrdreg s28  }
0x12: {  	v0 =	vand.u32 $0x7, v2;
	v2 =	vor.u32 $0x8, v2;
	v1 =	vmul.u32 $0x8, v1;
	s6 =	simm.s32 $0xF000;
	[dreg:$0x4] =	wrdreg s0;
	s0 =	simm.s32 $0xE000  }
.LBB2_5:
0x13: {  	_ =	swait.ge [sflag:s25], $0xA000  }
0x14: {  	[sflag:s25] =	ssyncset.done $0x0  }
0x15: {  	s28 =	simm.s32 $0x4;
	[sflag:s25] =	ssyncadd.s32 $0xFFFF6000  }
0x16: {  	_ =	swait.ge [sflag:s28], $0xA000  }
0x17: {  	s29 =	rddreg [dreg:$0x6]  }
0x18: {  	s26 =	rddreg [dreg:$0x5];
	s29 =	sadd.s32 $0x1, s29  }
0x19: {  	p0 =	sne.s32 s29, s26  }
.Ltmp1:
0x1a: {  	_ = 	snop;
	(pc) =	sbr.rel @!p0 .LBB2_6-.Ltmp1, $3  }
0x1b: {  	_ =	sdelay $0x1  }
0x1c: {  	[sflag:s28] =	ssyncset.done $0x0  }
0x1d: {  	[sflag:s28] =	ssyncadd.s32 $0xFFFF6000  }
.LBB2_1:
0x1e: {  	[dreg:$0x6] =	wrdreg s29  }
0x1f: {  	s26 =	rddreg [dreg:$0x4];
	s29 =	simm.s32 $0x5  }
0x20: {  	[tilespmem:s3], [sflag:$0x5] =	stream.linear.gather [hbm4b:s26+s3], $0x2800, $0x38;
	[tilespmem:$0x16800] =	vst v63  }
0x21: {  	_ =	swait.ge [sflag:s29], $0x2800  }
0x22: {  	[sflag:s29] =	ssyncset.done $0x0  }
0x23: {  	[sflag:s29] =	ssyncadd.s32 $0xFFFFD800  }
0x24: {  	v3 =	vld [tilespmem:$0x0];
	_ =	sdelay $0x4  }
0x25: {  	v4 =	vshll.u32 v3, $0x2  }
0x26: {  	v3 =	vand.u32 $0x7, v3;
	v4 =	vand.u32 $0xFFFFFFE0, v4  }
0x27: {  	v3 =	vor.u32 v3, v4  }
0x28: {  	v4 =	vperm.xlane v3, v0;
	_ =	sdelay $0x1  }
0x29: {  	v4 =	vadd.s32 v1, v4;
	_ =	sdelay $0x1  }
0x2a: {  	v3 =	vperm.xlane v3, v2;
	_ =	sdelay $0x1  }
0x2b: {  	v3 =	vadd.s32 v1, v3  }
0x2c: {  	[tilespmem:s9], [sflag:$0x1] =	stream.indirect_vreg.gather [hbm4b:s2+s3], $0x80, v4, vm0, $0xb8;
	[tilespmem:$0x16800] =	vst v63  }
0x2d: {  	s29 =	simm.s32 $0x3000  }
0x2e: {  	[tilespmem:s29], [sflag:$0x1] =	stream.indirect_vreg.gather [hbm4b:s5+s3], $0x80, v4, vm0, $0xb8;
	[tilespmem:$0x16800] =	vst v63  }
0x2f: {  	s29 =	simm.s32 $0x3800  }
0x30: {  	[tilespmem:s29], [sflag:$0x1] =	stream.indirect_vreg.gather [hbm4b:s2+s3], $0x80, v3, vm0, $0xb8;
	[tilespmem:$0x16800] =	vst v63  }
0x31: {  	s29 =	simm.s32 $0x4000  }
0x32: {  	[tilespmem:s29], [sflag:$0x1] =	stream.indirect_vreg.gather [hbm4b:s5+s3], $0x80, v3, vm0, $0xb8;
	[tilespmem:$0x16800] =	vst v63  }
0x33: {  	v3 =	vld [tilespmem:$0x10];
	_ =	sdelay $0x4  }
0x34: {  	v60 =	vshll.u32 v3, $0x2  }
0x35: {  	v3 =	vand.u32 $0x7, v3;
	v4 =	vand.u32 $0xFFFFFFE0, v60  }
0x36: {  	v3 =	vor.u32 v3, v4  }
0x37: {  	v4 =	vperm.xlane v3, v0;
	_ =	sdelay $0x1  }
0x38: {  	v4 =	vadd.s32 v1, v4;
	_ =	sdelay $0x1  }
0x39: {  	v3 =	vperm.xlane v3, v2;
	_ =	sdelay $0x1  }
0x3a: {  	s29 =	simm.s32 $0x4800;
	v3 =	vadd.s32 v1, v3  }
0x3b: {  	[tilespmem:s29], [sflag:$0x1] =	stream.indirect_vreg.gather [hbm4b:s2+s3], $0x80, v4, vm0, $0xb8;
	[tilespmem:$0x16800] =	vst v63  }
0x3c: {  	s29 =	simm.s32 $0x5000  }
0x3d: {  	[tilespmem:s29], [sflag:$0x1] =	stream.indirect_vreg.gather [hbm4b:s5+s3], $0x80, v4, vm0, $0xb8;
	[tilespmem:$0x16800] =	vst v63  }
0x3e: {  	s29 =	simm.s32 $0x5800  }
0x3f: {  	[tilespmem:s29], [sflag:$0x1] =	stream.indirect_vreg.gather [hbm4b:s2+s3], $0x80, v3, vm0, $0xb8;
	[tilespmem:$0x16800] =	vst v63  }
0x40: {  	s29 =	simm.s32 $0x6000  }
0x41: {  	[tilespmem:s29], [sflag:$0x1] =	stream.indirect_vreg.gather [hbm4b:s5+s3], $0x80, v3, vm0, $0xb8;
	[tilespmem:$0x16800] =	vst v63  }
0x42: {  	v3 =	vld [tilespmem:$0x20];
	_ =	sdelay $0x4  }
0x43: {  	v61 =	vshll.u32 v3, $0x2  }
0x44: {  	v3 =	vand.u32 $0x7, v3;
	v4 =	vand.u32 $0xFFFFFFE0, v61  }
0x45: {  	v3 =	vor.u32 v3, v4  }
0x46: {  	v4 =	vperm.xlane v3, v0;
	_ =	sdelay $0x1  }
0x47: {  	v4 =	vadd.s32 v1, v4;
	_ =	sdelay $0x1  }
0x48: {  	v3 =	vperm.xlane v3, v2;
	_ =	sdelay $0x1  }
0x49: {  	s29 =	simm.s32 $0x6800;
	v3 =	vadd.s32 v1, v3  }
0x4a: {  	[tilespmem:s29], [sflag:$0x1] =	stream.indirect_vreg.gather [hbm4b:s2+s3], $0x80, v4, vm0, $0xb8;
	[tilespmem:$0x16800] =	vst v63  }
0x4b: {  	s29 =	simm.s32 $0x7000  }
0x4c: {  	[tilespmem:s29], [sflag:$0x1] =	stream.indirect_vreg.gather [hbm4b:s5+s3], $0x80, v4, vm0, $0xb8;
	[tilespmem:$0x16800] =	vst v63  }
0x4d: {  	s29 =	simm.s32 $0x7800  }
0x4e: {  	[tilespmem:s29], [sflag:$0x1] =	stream.indirect_vreg.gather [hbm4b:s2+s3], $0x80, v3, vm0, $0xb8;
	[tilespmem:$0x16800] =	vst v63  }
0x4f: {  	s29 =	simm.s32 $0x8000  }
0x50: {  	[tilespmem:s29], [sflag:$0x1] =	stream.indirect_vreg.gather [hbm4b:s5+s3], $0x80, v3, vm0, $0xb8;
	[tilespmem:$0x16800] =	vst v63  }
0x51: {  	v3 =	vld [tilespmem:$0x30];
	_ =	sdelay $0x4  }
0x52: {  	v62 =	vshll.u32 v3, $0x2  }
0x53: {  	v3 =	vand.u32 $0x7, v3;
	v4 =	vand.u32 $0xFFFFFFE0, v62  }
0x54: {  	v3 =	vor.u32 v3, v4  }
0x55: {  	v4 =	vperm.xlane v3, v0;
	_ =	sdelay $0x1  }
0x56: {  	v4 =	vadd.s32 v1, v4;
	_ =	sdelay $0x1  }
0x57: {  	v3 =	vperm.xlane v3, v2;
	_ =	sdelay $0x1  }
0x58: {  	s29 =	simm.s32 $0x8800;
	v3 =	vadd.s32 v1, v3  }
0x59: {  	[tilespmem:s29], [sflag:$0x1] =	stream.indirect_vreg.gather [hbm4b:s2+s3], $0x80, v4, vm0, $0xb8;
	[tilespmem:$0x16800] =	vst v63  }
0x5a: {  	s29 =	simm.s32 $0x9000  }
0x5b: {  	[tilespmem:s29], [sflag:$0x1] =	stream.indirect_vreg.gather [hbm4b:s5+s3], $0x80, v4, vm0, $0xb8;
	[tilespmem:$0x16800] =	vst v63  }
0x5c: {  	s29 =	simm.s32 $0x9800  }
0x5d: {  	[tilespmem:s29], [sflag:$0x1] =	stream.indirect_vreg.gather [hbm4b:s2+s3], $0x80, v3, vm0, $0xb8;
	[tilespmem:$0x16800] =	vst v63  }
0x5e: {  	s29 =	simm.s32 $0xA000  }
0x5f: {  	[tilespmem:s29], [sflag:$0x1] =	stream.indirect_vreg.gather [hbm4b:s5+s3], $0x80, v3, vm0, $0xb8;
	[tilespmem:$0x16800] =	vst v63  }
0x60: {  	v3 =	vld [tilespmem:$0x40];
	_ =	sdelay $0x4  }
0x61: {  	v63 =	vshll.u32 v3, $0x2  }
0x62: {  	v3 =	vand.u32 $0x7, v3;
	v4 =	vand.u32 $0xFFFFFFE0, v63  }
0x63: {  	v3 =	vor.u32 v3, v4  }
0x64: {  	v4 =	vperm.xlane v3, v0;
	_ =	sdelay $0x1  }
0x65: {  	v4 =	vadd.s32 v1, v4;
	_ =	sdelay $0x2  }
0x66: {  	v3 =	vperm.xlane v3, v2  }
0x67: {  	s29 =	simm.s32 $0xA800  }
0x68: {  	v3 =	vadd.s32 v1, v3;
	[tilespmem:s29], [sflag:$0x1] =	stream.indirect_vreg.gather [hbm4b:s2+s3], $0x80, v4, vm0, $0xb8;
	[tilespmem:$0x16800] =	vst v63  }
0x69: {  	s29 =	simm.s32 $0xB000  }
0x6a: {  	[tilespmem:s29], [sflag:$0x1] =	stream.indirect_vreg.gather [hbm4b:s5+s3], $0x80, v4, vm0, $0xb8;
	[tilespmem:$0x16800] =	vst v63  }
.Ltmp2:
0x6b: {  	_ = 	snop;
	(pc) =	sbr.rel .LBB2_2-.Ltmp2, $4  }
0x6c: {  	s29 =	simm.s32 $0xB800  }
0x6d: {  	[tilespmem:s29], [sflag:$0x1] =	stream.indirect_vreg.gather [hbm4b:s2+s3], $0x80, v3, vm0, $0xb8;
	[tilespmem:$0x16800] =	vst v63  }
0x6e: {  	s28 =	simm.s32 $0x0;
	s26 =	simm.s32 $0xA0;
	s29 =	simm.s32 $0xC000  }
0x6f: {  	[tilespmem:s29], [sflag:$0x1] =	stream.indirect_vreg.gather [hbm4b:s5+s3], $0x80, v3, vm0, $0xb8;
	[tilespmem:$0x16800] =	vst v63  }
.LBB2_4:
0x70: {  	s28 =	sadd.s32 $0x2800, s28  }
0x71: {  	p0 =	sne.s32 s28, $0x64000  }
.Ltmp3:
0x72: {  	_ = 	snop;
	(pc) =	sbr.rel @!p0 .LBB2_5-.Ltmp3, $4  }
0x73: {  	_ =	swait.ge [sflag:s24], $0xA000  }
0x74: {  	[sflag:s24] =	ssyncset.done $0x0  }
0x75: {  	s29 =	sadd.s32 $0x1400, s29;
	s26 =	sadd.s32 $0x100, s26;
	[sflag:s24] =	ssyncadd.s32 $0xFFFF6000  }
0x76: {  	[hbm4b:s29+s3] =	stream.linear.scatter [tilespmem:s30], [sflag:$0x4], $0xA000, $0x38;
	[tilespmem:$0x16800] =	vst v63  }
.LBB2_2:
0x77: {  	p0 =	seq.s32 s28, $0x0  }
0x78: {  	s29 =	simm.s32 @!p0 $0x4  }
0x79: {  	_ =	swait.ge @!p0 [sflag:s29], $0xA000  }
0x7a: {  	[sflag:s29] =	ssyncset.done @!p0 $0x0  }
0x7b: {  	[sflag:s29] =	ssyncadd.s32 @!p0 $0xFFFF6000  }
0x7c: {  	v3 =	vld [tilespmem:s26+$0xFFFFFFE0];
	_ =	sdelay $0x4  }
0x7d: {  	v4 =	vshll.u32 v3, $0x2  }
0x7e: {  	v3 =	vand.u32 $0x7, v3;
	v4 =	vand.u32 $0xFFFFFFE0, v4  }
0x7f: {  	v3 =	vor.u32 v3, v4  }
0x80: {  	v4 =	vperm.xlane v3, v0;
	_ =	sdelay $0x1  }
0x81: {  	v4 =	vadd.s32 v1, v4;
	_ =	sdelay $0x1  }
0x82: {  	v3 =	vperm.xlane v3, v2;
	_ =	sdelay $0x1  }
0x83: {  	v3 =	vadd.s32 v1, v3  }
0x84: {  	[tilespmem:s30], [sflag:$0x2] =	stream.indirect_vreg.gather [hbm4b:s2+s3], $0x80, v4, vm0, $0xb8;
	[tilespmem:$0x16800] =	vst v63  }
0x85: {  	_ = 	snop  }
0x86: {  	[tilespmem:s31], [sflag:$0x2] =	stream.indirect_vreg.gather [hbm4b:s5+s3], $0x80, v4, vm0, $0xb8;
	[tilespmem:$0x16800] =	vst v63  }
0x87: {  	_ = 	snop  }
0x88: {  	[tilespmem:s1], [sflag:$0x2] =	stream.indirect_vreg.gather [hbm4b:s2+s3], $0x80, v3, vm0, $0xb8;
	[tilespmem:$0x16800] =	vst v63  }
0x89: {  	_ = 	snop  }
0x8a: {  	[tilespmem:s0], [sflag:$0x2] =	stream.indirect_vreg.gather [hbm4b:s5+s3], $0x80, v3, vm0, $0xb8;
	[tilespmem:$0x16800] =	vst v63  }
0x8b: {  	v3 =	vld [tilespmem:s26+$0xFFFFFFF0];
	_ =	sdelay $0x4  }
0x8c: {  	v60 =	vshll.u32 v3, $0x2  }
0x8d: {  	v3 =	vand.u32 $0x7, v3;
	v4 =	vand.u32 $0xFFFFFFE0, v60  }
0x8e: {  	v3 =	vor.u32 v3, v4  }
0x8f: {  	v4 =	vperm.xlane v3, v0;
	_ =	sdelay $0x1  }
0x90: {  	v4 =	vadd.s32 v1, v4;
	_ =	sdelay $0x1  }
0x91: {  	v3 =	vperm.xlane v3, v2;
	_ =	sdelay $0x1  }
0x92: {  	v3 =	vadd.s32 v1, v3  }
0x93: {  	[tilespmem:s4], [sflag:$0x2] =	stream.indirect_vreg.gather [hbm4b:s2+s3], $0x80, v4, vm0, $0xb8;
	[tilespmem:$0x16800] =	vst v63  }
0x94: {  	_ = 	snop  }
0x95: {  	[tilespmem:s6], [sflag:$0x2] =	stream.indirect_vreg.gather [hbm4b:s5+s3], $0x80, v4, vm0, $0xb8;
	[tilespmem:$0x16800] =	vst v63  }
0x96: {  	_ = 	snop  }
0x97: {  	[tilespmem:s8], [sflag:$0x2] =	stream.indirect_vreg.gather [hbm4b:s2+s3], $0x80, v3, vm0, $0xb8;
	[tilespmem:$0x16800] =	vst v63  }
0x98: {  	_ = 	snop  }
0x99: {  	[tilespmem:s10], [sflag:$0x2] =	stream.indirect_vreg.gather [hbm4b:s5+s3], $0x80, v3, vm0, $0xb8;
	[tilespmem:$0x16800] =	vst v63  }
0x9a: {  	v3 =	vld [tilespmem:s26+$0x0];
	_ =	sdelay $0x4  }
0x9b: {  	v61 =	vshll.u32 v3, $0x2  }
0x9c: {  	v3 =	vand.u32 $0x7, v3;
	v4 =	vand.u32 $0xFFFFFFE0, v61  }
0x9d: {  	v3 =	vor.u32 v3, v4  }
0x9e: {  	v4 =	vperm.xlane v3, v0;
	_ =	sdelay $0x1  }
0x9f: {  	v4 =	vadd.s32 v1, v4;
	_ =	sdelay $0x1  }
0xa0: {  	v3 =	vperm.xlane v3, v2;
	_ =	sdelay $0x1  }
0xa1: {  	v3 =	vadd.s32 v1, v3  }
0xa2: {  	[tilespmem:s11], [sflag:$0x2] =	stream.indirect_vreg.gather [hbm4b:s2+s3], $0x80, v4, vm0, $0xb8;
	[tilespmem:$0x16800] =	vst v63  }
0xa3: {  	_ = 	snop  }
0xa4: {  	[tilespmem:s12], [sflag:$0x2] =	stream.indirect_vreg.gather [hbm4b:s5+s3], $0x80, v4, vm0, $0xb8;
	[tilespmem:$0x16800] =	vst v63  }
0xa5: {  	_ = 	snop  }
0xa6: {  	[tilespmem:s13], [sflag:$0x2] =	stream.indirect_vreg.gather [hbm4b:s2+s3], $0x80, v3, vm0, $0xb8;
	[tilespmem:$0x16800] =	vst v63  }
0xa7: {  	_ = 	snop  }
0xa8: {  	[tilespmem:s14], [sflag:$0x2] =	stream.indirect_vreg.gather [hbm4b:s5+s3], $0x80, v3, vm0, $0xb8;
	[tilespmem:$0x16800] =	vst v63  }
0xa9: {  	v3 =	vld [tilespmem:s26+$0x10];
	_ =	sdelay $0x4  }
0xaa: {  	v62 =	vshll.u32 v3, $0x2  }
0xab: {  	v3 =	vand.u32 $0x7, v3;
	v4 =	vand.u32 $0xFFFFFFE0, v62  }
0xac: {  	v3 =	vor.u32 v3, v4  }
0xad: {  	v4 =	vperm.xlane v3, v0;
	_ =	sdelay $0x1  }
0xae: {  	v4 =	vadd.s32 v1, v4;
	_ =	sdelay $0x1  }
0xaf: {  	v3 =	vperm.xlane v3, v2;
	_ =	sdelay $0x1  }
0xb0: {  	v3 =	vadd.s32 v1, v3  }
0xb1: {  	[tilespmem:s15], [sflag:$0x2] =	stream.indirect_vreg.gather [hbm4b:s2+s3], $0x80, v4, vm0, $0xb8;
	[tilespmem:$0x16800] =	vst v63  }
0xb2: {  	_ = 	snop  }
0xb3: {  	[tilespmem:s16], [sflag:$0x2] =	stream.indirect_vreg.gather [hbm4b:s5+s3], $0x80, v4, vm0, $0xb8;
	[tilespmem:$0x16800] =	vst v63  }
0xb4: {  	_ = 	snop  }
0xb5: {  	[tilespmem:s17], [sflag:$0x2] =	stream.indirect_vreg.gather [hbm4b:s2+s3], $0x80, v3, vm0, $0xb8;
	[tilespmem:$0x16800] =	vst v63  }
0xb6: {  	_ = 	snop  }
0xb7: {  	[tilespmem:s18], [sflag:$0x2] =	stream.indirect_vreg.gather [hbm4b:s5+s3], $0x80, v3, vm0, $0xb8;
	[tilespmem:$0x16800] =	vst v63  }
0xb8: {  	v3 =	vld [tilespmem:s26+$0x20];
	_ =	sdelay $0x4  }
0xb9: {  	v63 =	vshll.u32 v3, $0x2  }
0xba: {  	v3 =	vand.u32 $0x7, v3;
	v4 =	vand.u32 $0xFFFFFFE0, v63  }
0xbb: {  	v3 =	vor.u32 v3, v4  }
0xbc: {  	v4 =	vperm.xlane v3, v0;
	_ =	sdelay $0x1  }
0xbd: {  	v4 =	vadd.s32 v1, v4;
	_ =	sdelay $0x1  }
0xbe: {  	v3 =	vperm.xlane v3, v2;
	_ =	sdelay $0x1  }
0xbf: {  	v3 =	vadd.s32 v1, v3  }
0xc0: {  	[tilespmem:s19], [sflag:$0x2] =	stream.indirect_vreg.gather [hbm4b:s2+s3], $0x80, v4, vm0, $0xb8;
	[tilespmem:$0x16800] =	vst v63  }
0xc1: {  	_ = 	snop  }
0xc2: {  	[tilespmem:s20], [sflag:$0x2] =	stream.indirect_vreg.gather [hbm4b:s5+s3], $0x80, v4, vm0, $0xb8;
	[tilespmem:$0x16800] =	vst v63  }
0xc3: {  	_ = 	snop  }
0xc4: {  	[tilespmem:s21], [sflag:$0x2] =	stream.indirect_vreg.gather [hbm4b:s2+s3], $0x80, v3, vm0, $0xb8;
	[tilespmem:$0x16800] =	vst v63  }
0xc5: {  	p0 =	seq.s32 s28, $0x61800  }
0xc6: {  	[tilespmem:s22], [sflag:$0x2] =	stream.indirect_vreg.gather [hbm4b:s5+s3], $0x80, v3, vm0, $0xb8;
	[tilespmem:$0x16800] =	vst v63  }
.Ltmp4:
0xc7: {  	_ = 	snop;
	(pc) =	sbr.rel @p0 .LBB2_4-.Ltmp4, $4  }
0xc8: {  	_ =	swait.ge [sflag:s23], $0xA000  }
0xc9: {  	[sflag:s23] =	ssyncset.done $0x0  }
0xca: {  	s29 =	sadd.s32 s28, s7;
	[sflag:s23] =	ssyncadd.s32 $0xFFFF6000  }
0xcb: {  	[hbm4b:s29+s3] =	stream.linear.scatter [tilespmem:s9], [sflag:$0x3], $0xA000, $0x38;
	[tilespmem:$0x16800] =	vst v63  }
0xcc: {  	_ =	swait.ge [sflag:s25], $0xA000  }
0xcd: {  	[sflag:s25] =	ssyncset.done $0x0  }
0xce: {  	[sflag:s25] =	ssyncadd.s32 $0xFFFF6000  }
0xcf: {  	v3 =	vld [tilespmem:s26+$0x60];
	_ =	sdelay $0x4  }
0xd0: {  	v4 =	vshll.u32 v3, $0x2  }
0xd1: {  	v3 =	vand.u32 $0x7, v3;
	v4 =	vand.u32 $0xFFFFFFE0, v4  }
0xd2: {  	v3 =	vor.u32 v3, v4  }
0xd3: {  	v4 =	vperm.xlane v3, v0;
	_ =	sdelay $0x1  }
0xd4: {  	v4 =	vadd.s32 v1, v4;
	_ =	sdelay $0x1  }
0xd5: {  	v3 =	vperm.xlane v3, v2;
	_ =	sdelay $0x1  }
0xd6: {  	v3 =	vadd.s32 v1, v3  }
0xd7: {  	[tilespmem:s9], [sflag:$0x1] =	stream.indirect_vreg.gather [hbm4b:s2+s3], $0x80, v4, vm0, $0xb8;
	[tilespmem:$0x16800] =	vst v63  }
0xd8: {  	s31 =	simm.s32 $0x3000  }
0xd9: {  	[tilespmem:s31], [sflag:$0x1] =	stream.indirect_vreg.gather [hbm4b:s5+s3], $0x80, v4, vm0, $0xb8;
	[tilespmem:$0x16800] =	vst v63  }
0xda: {  	s31 =	simm.s32 $0x3800  }
0xdb: {  	[tilespmem:s31], [sflag:$0x1] =	stream.indirect_vreg.gather [hbm4b:s2+s3], $0x80, v3, vm0, $0xb8;
	[tilespmem:$0x16800] =	vst v63  }
0xdc: {  	s31 =	simm.s32 $0x4000  }
0xdd: {  	[tilespmem:s31], [sflag:$0x1] =	stream.indirect_vreg.gather [hbm4b:s5+s3], $0x80, v3, vm0, $0xb8;
	[tilespmem:$0x16800] =	vst v63  }
0xde: {  	v3 =	vld [tilespmem:s26+$0x70];
	_ =	sdelay $0x4  }
0xdf: {  	v60 =	vshll.u32 v3, $0x2  }
0xe0: {  	v3 =	vand.u32 $0x7, v3;
	v4 =	vand.u32 $0xFFFFFFE0, v60  }
0xe1: {  	v3 =	vor.u32 v3, v4  }
0xe2: {  	v4 =	vperm.xlane v3, v0;
	_ =	sdelay $0x1  }
0xe3: {  	v4 =	vadd.s32 v1, v4;
	_ =	sdelay $0x1  }
0xe4: {  	v3 =	vperm.xlane v3, v2;
	_ =	sdelay $0x1  }
0xe5: {  	s31 =	simm.s32 $0x4800;
	v3 =	vadd.s32 v1, v3  }
0xe6: {  	[tilespmem:s31], [sflag:$0x1] =	stream.indirect_vreg.gather [hbm4b:s2+s3], $0x80, v4, vm0, $0xb8;
	[tilespmem:$0x16800] =	vst v63  }
0xe7: {  	s31 =	simm.s32 $0x5000  }
0xe8: {  	[tilespmem:s31], [sflag:$0x1] =	stream.indirect_vreg.gather [hbm4b:s5+s3], $0x80, v4, vm0, $0xb8;
	[tilespmem:$0x16800] =	vst v63  }
0xe9: {  	s31 =	simm.s32 $0x5800  }
0xea: {  	[tilespmem:s31], [sflag:$0x1] =	stream.indirect_vreg.gather [hbm4b:s2+s3], $0x80, v3, vm0, $0xb8;
	[tilespmem:$0x16800] =	vst v63  }
0xeb: {  	s31 =	simm.s32 $0x6000  }
0xec: {  	[tilespmem:s31], [sflag:$0x1] =	stream.indirect_vreg.gather [hbm4b:s5+s3], $0x80, v3, vm0, $0xb8;
	[tilespmem:$0x16800] =	vst v63  }
0xed: {  	v3 =	vld [tilespmem:s26+$0x80];
	_ =	sdelay $0x4  }
0xee: {  	v61 =	vshll.u32 v3, $0x2  }
0xef: {  	v3 =	vand.u32 $0x7, v3;
	v4 =	vand.u32 $0xFFFFFFE0, v61  }
0xf0: {  	v3 =	vor.u32 v3, v4  }
0xf1: {  	v4 =	vperm.xlane v3, v0;
	_ =	sdelay $0x1  }
0xf2: {  	v4 =	vadd.s32 v1, v4;
	_ =	sdelay $0x1  }
0xf3: {  	v3 =	vperm.xlane v3, v2;
	_ =	sdelay $0x1  }
0xf4: {  	s31 =	simm.s32 $0x6800;
	v3 =	vadd.s32 v1, v3  }
0xf5: {  	[tilespmem:s31], [sflag:$0x1] =	stream.indirect_vreg.gather [hbm4b:s2+s3], $0x80, v4, vm0, $0xb8;
	[tilespmem:$0x16800] =	vst v63  }
0xf6: {  	s31 =	simm.s32 $0x7000  }
0xf7: {  	[tilespmem:s31], [sflag:$0x1] =	stream.indirect_vreg.gather [hbm4b:s5+s3], $0x80, v4, vm0, $0xb8;
	[tilespmem:$0x16800] =	vst v63  }
0xf8: {  	s31 =	simm.s32 $0x7800  }
0xf9: {  	[tilespmem:s31], [sflag:$0x1] =	stream.indirect_vreg.gather [hbm4b:s2+s3], $0x80, v3, vm0, $0xb8;
	[tilespmem:$0x16800] =	vst v63  }
0xfa: {  	s31 =	simm.s32 $0x8000  }
0xfb: {  	[tilespmem:s31], [sflag:$0x1] =	stream.indirect_vreg.gather [hbm4b:s5+s3], $0x80, v3, vm0, $0xb8;
	[tilespmem:$0x16800] =	vst v63  }
0xfc: {  	v3 =	vld [tilespmem:s26+$0x90];
	_ =	sdelay $0x4  }
0xfd: {  	v62 =	vshll.u32 v3, $0x2  }
0xfe: {  	v3 =	vand.u32 $0x7, v3;
	v4 =	vand.u32 $0xFFFFFFE0, v62  }
0xff: {  	v3 =	vor.u32 v3, v4  }
0x100: {  	v4 =	vperm.xlane v3, v0;
	_ =	sdelay $0x1  }
0x101: {  	v4 =	vadd.s32 v1, v4;
	_ =	sdelay $0x1  }
0x102: {  	v3 =	vperm.xlane v3, v2;
	_ =	sdelay $0x1  }
0x103: {  	s31 =	simm.s32 $0x8800;
	v3 =	vadd.s32 v1, v3  }
0x104: {  	[tilespmem:s31], [sflag:$0x1] =	stream.indirect_vreg.gather [hbm4b:s2+s3], $0x80, v4, vm0, $0xb8;
	[tilespmem:$0x16800] =	vst v63  }
0x105: {  	s31 =	simm.s32 $0x9000  }
0x106: {  	[tilespmem:s31], [sflag:$0x1] =	stream.indirect_vreg.gather [hbm4b:s5+s3], $0x80, v4, vm0, $0xb8;
	[tilespmem:$0x16800] =	vst v63  }
0x107: {  	s31 =	simm.s32 $0x9800  }
0x108: {  	[tilespmem:s31], [sflag:$0x1] =	stream.indirect_vreg.gather [hbm4b:s2+s3], $0x80, v3, vm0, $0xb8;
	[tilespmem:$0x16800] =	vst v63  }
0x109: {  	s31 =	simm.s32 $0xA000  }
0x10a: {  	[tilespmem:s31], [sflag:$0x1] =	stream.indirect_vreg.gather [hbm4b:s5+s3], $0x80, v3, vm0, $0xb8;
	[tilespmem:$0x16800] =	vst v63  }
0x10b: {  	v3 =	vld [tilespmem:s26+$0xA0];
	_ =	sdelay $0x4  }
0x10c: {  	v63 =	vshll.u32 v3, $0x2  }
0x10d: {  	v3 =	vand.u32 $0x7, v3;
	v4 =	vand.u32 $0xFFFFFFE0, v63  }
0x10e: {  	v3 =	vor.u32 v3, v4  }
0x10f: {  	v4 =	vperm.xlane v3, v0;
	_ =	sdelay $0x1  }
0x110: {  	v4 =	vadd.s32 v1, v4;
	_ =	sdelay $0x1  }
0x111: {  	v3 =	vperm.xlane v3, v2;
	_ =	sdelay $0x1  }
0x112: {  	s31 =	simm.s32 $0xA800;
	v3 =	vadd.s32 v1, v3  }
0x113: {  	[tilespmem:s31], [sflag:$0x1] =	stream.indirect_vreg.gather [hbm4b:s2+s3], $0x80, v4, vm0, $0xb8;
	[tilespmem:$0x16800] =	vst v63  }
0x114: {  	s31 =	simm.s32 $0xB000  }
0x115: {  	[tilespmem:s31], [sflag:$0x1] =	stream.indirect_vreg.gather [hbm4b:s5+s3], $0x80, v4, vm0, $0xb8;
	[tilespmem:$0x16800] =	vst v63  }
.Ltmp5:
0x116: {  	s31 =	simm.s32 $0xB800;
	(pc) =	sbr.rel .LBB2_4-.Ltmp5, $4  }
0x117: {  	[tilespmem:s31], [sflag:$0x1] =	stream.indirect_vreg.gather [hbm4b:s2+s3], $0x80, v3, vm0, $0xb8;
	[tilespmem:$0x16800] =	vst v63  }
0x118: {  	s31 =	simm.s32 $0xC000  }
0x119: {  	[tilespmem:s31], [sflag:$0x1] =	stream.indirect_vreg.gather [hbm4b:s5+s3], $0x80, v3, vm0, $0xb8;
	[tilespmem:$0x16800] =	vst v63  }
0x11a: {  	s31 =	simm.s32 $0xD000  }
.LBB2_6:
0x11b: {  	_ =	sfence.sel $0x180000  }
0x11c: {  	[bflag:$0x0] =	sbarrier.arrive $0xFFFF  }
0x11d: {  	_ =	strace $0x90000047  }
0x11e: {  	s0 =	stileid.u32;
	[bflag:$0x2] =	sbarrier.arrive $0xFFFF  }
0x11f: {  	p0 =	sne.s32 s0, $0x0;
	s0 =	rddreg [dreg:$0x3]  }
0x120: {  	s0 =	sadd.s32 @!p0 $0x100000, s0  }
0x121: {  	[sflag:s0] =	ssyncadd.tile.s32 @!p0 $0x1;
	_ =	shalt  }
.Lfunc_end2:
_tile_overlayer_lowered:
.L_overlay_start_2:
0x122: {  	(tag) =	ssettag $0x2  }
0x123: {  	s0 =	rddreg [dreg:$0x0];
	s2 =	stileid.u32  }
0x124: {  	s1 =	rddreg [dreg:$0x1];
	p0 =	sne.s32 s2, $0x0  }
0x125: {  	s3 =	rddreg [dreg:$0x2];
	[bflag:$0x3] =	sbarrier.arrive $0xFFFF;
	s2 =	simm.s32 @!p0 $0x1C05  }
0x126: {  	[timem:s3], [sflag:s2] =	dma.local @!p0 [hbm:s0], s1  }
0x127: {  	s0 =	simm.s32 @!p0 $0x5  }
0x128: {  	_ =	swait.ge @!p0 [sflag:s0], s1  }
0x129: {  	s1 =	ssub.s32 @!p0 $0x0, s1;
	[sflag:s0] =	ssyncset.done @!p0 $0x0  }
0x12a: {  	[sflag:s0] =	ssyncadd.s32 @!p0 s1  }
0x12b: {  	[bflag:$0x3] =	sbarrier.arrive $0xFFFF  }
0x12c: {  	_ =	shalt  }

</sc_bundles>
